<compile_context>
chip_gen: v7x
topology: tpu7x:2x2x1
jax: 0.10.2.dev20260603
libtpu: 0.0.44.dev20260713+nightly
codegen_flags: <defaults>
</compile_context>

<pallas_src>
import jax
import jax.numpy as jnp
from jax import lax
from jax.experimental import pallas as pl
from jax.experimental.pallas import tpu as pltpu
import jax.experimental.pallas.tpu_sc as plsc

_NC = 2
_NS = 16
_NW = _NC * _NS
_C = 128
_SPLIT0 = 90


def _scale_body(h_ref, norm_ref, o_ref):
    o_ref[...] = h_ref[...] * norm_ref[...]


def _make_sc_body(w_pair, rps, n_pad):
    n_pair = w_pair // _C

    def body(norm_h_hbm, src_hbm, dst_hbm, z_hbm, out_hbm,
             src_v, dst_v, rows_v, acc_sh, sem):
        c = lax.axis_index("c")
        s = lax.axis_index("s")
        row0 = pl.multiple_of(s * rps, 8)
        pltpu.sync_copy(z_hbm, acc_sh.at[pl.ds(row0, rps)])
        plsc.subcore_barrier()

        ebase = pl.multiple_of(s * w_pair + c * (_SPLIT0 * _C), 8)
        nc = lax.select(c == 0, _SPLIT0, n_pair - _SPLIT0)

        def step(i, carry):
            off = pl.multiple_of(ebase + i * _C, 8)
            pltpu.sync_copy(src_hbm.at[pl.ds(off, _C)], src_v)
            pltpu.sync_copy(dst_hbm.at[pl.ds(off, _C)], dst_v)
            pltpu.async_copy(norm_h_hbm.at[src_v], rows_v, sem).wait()
            pltpu.sync_copy(rows_v, acc_sh.at[dst_v], add=True)
            return carry

        lax.fori_loop(0, nc, step, 0)
        plsc.subcore_barrier()
        out0 = pl.multiple_of(c * n_pad + s * rps, 8)
        pltpu.sync_copy(acc_sh.at[pl.ds(row0, rps)], out_hbm.at[pl.ds(out0, rps)])

    return body


def _mm_body(h_ref, p_ref, norm_ref, w_ref, w2_ref, o_ref):
    nrm = norm_ref[...]
    agg = (p_ref[0] + p_ref[1]) * nrm
    x = jnp.concatenate([h_ref[...], agg], axis=1)
    y = jnp.dot(x, w_ref[...], preferred_element_type=jnp.float32)
    y = jnp.maximum(y, 0.0)
    ss = jnp.sum(y * y, axis=1, keepdims=True)
    y = y * lax.rsqrt(jnp.maximum(ss, 1e-12))
    o_ref[...] = jnp.maximum(
        jnp.dot(y, w2_ref[...], preferred_element_type=jnp.float32), 0.0)


def kernel(h, edge_index, norm, weight, weight2):
    n, d = h.shape
    e = edge_index.shape[1]
    d_out = weight2.shape[1]

    src = edge_index[0].astype(jnp.int32)
    dst = edge_index[1].astype(jnp.int32)

    w_pair = -(-e // (_NS * _C)) * _C
    e_pad = w_pair * _NS
    n_pad = -(-n // (_NS * 8)) * (_NS * 8)
    rps = n_pad // _NS
    if e_pad > e:
        src = jnp.concatenate([src, jnp.zeros((e_pad - e,), jnp.int32)])
        dst = jnp.concatenate([dst, jnp.full((e_pad - e,), n, jnp.int32)])

    bn = 1000 if n % 1000 == 0 else n

    norm_h = pl.pallas_call(
        _scale_body,
        out_shape=jax.ShapeDtypeStruct((n, d), jnp.float32),
        grid=(n // bn,),
        in_specs=[pl.BlockSpec((bn, d), lambda i: (i, 0)),
                  pl.BlockSpec((bn, 1), lambda i: (i, 0))],
        out_specs=pl.BlockSpec((bn, d), lambda i: (i, 0)),
    )(h, norm)

    z = jnp.zeros((rps, d), jnp.float32)
    mesh = plsc.VectorSubcoreMesh(core_axis_name="c", subcore_axis_name="s")
    partial = pl.kernel(
        _make_sc_body(w_pair, rps, n_pad),
        out_type=jax.ShapeDtypeStruct((_NC * n_pad, d), jnp.float32),
        mesh=mesh,
        scratch_types=[
            pltpu.VMEM((_C,), jnp.int32),
            pltpu.VMEM((_C,), jnp.int32),
            pltpu.VMEM((_C, d), jnp.float32),
            pltpu.VMEM_SHARED((n_pad, d), jnp.float32),
            pltpu.SemaphoreType.DMA,
        ],
    )(norm_h, src, dst, z)
    p = partial.reshape(_NC, n_pad, d)

    out = pl.pallas_call(
        _mm_body,
        out_shape=jax.ShapeDtypeStruct((n, d_out), jnp.float32),
        grid=(n // bn,),
        in_specs=[
            pl.BlockSpec((bn, d), lambda i: (i, 0)),
            pl.BlockSpec((_NC, bn, d), lambda i: (0, i, 0)),
            pl.BlockSpec((bn, 1), lambda i: (i, 0)),
            pl.BlockSpec(weight.shape, lambda i: (0, 0)),
            pl.BlockSpec(weight2.shape, lambda i: (0, 0)),
        ],
        out_specs=pl.BlockSpec((bn, d_out), lambda i: (i, 0)),
    )(h, p, norm, weight, weight2)
    return out

# --- scband reference (transcript-rebuilt; emitter-appended) ---
"""Pipeline reference for scband-gcnlayer-7868380086997 (READ-ONLY COPY).

The authoritative reference and input builder live on the scoring server;
editing this copy changes nothing except your own understanding.
"""

import jax, jax.numpy as jnp
import numpy as np

N = 10000
E = 320000
D_IN = 128
D_OUT = 128


def setup_inputs(seed: int = 0) -> dict:
    key = jax.random.key(seed)
    k1, k2, k3, k4, k5 = jax.random.split(key, 5)
    h = jax.random.normal(k1, (N, D_IN), dtype=jnp.float32)
    edge_index = jax.random.randint(k2, (2, E), 0, N, dtype=jnp.int64)
    # symmetric-ish GCN norm: deg^{-1/2} based on in-degree (clipped at 1)
    deg = jnp.bincount(edge_index[1], length=N).astype(jnp.float32)
    norm = (1.0 / jnp.sqrt(jnp.maximum(deg, 1.0))).reshape(N, 1)
    # glorot-uniform-style init for the two dense weights
    lim1 = float(np.sqrt(6.0 / (D_IN * 2 + D_OUT * 2)))
    lim2 = float(np.sqrt(6.0 / (D_OUT * 2 + D_OUT)))
    weight = jax.random.uniform(k3, (D_IN * 2, D_OUT * 2), dtype=jnp.float32, minval=-lim1, maxval=lim1)
    weight2 = jax.random.uniform(k4, (D_OUT * 2, D_OUT), dtype=jnp.float32, minval=-lim2, maxval=lim2)
    return {"h": h, "edge_index": edge_index, "norm": norm, "weight": weight, "weight2": weight2}


def _l2_normalize(x, axis=-1, epsilon=1e-12):
    sq = jnp.sum(x * x, axis=axis, keepdims=True)
    return x * jax.lax.rsqrt(jnp.maximum(sq, epsilon))


def reference(h, edge_index, norm, weight, weight2):
    src = edge_index[0]
    dst = edge_index[1]
    n = h.shape[0]
    # ndata['norm_h'] = h * norm
    norm_h = h * norm
    # update_all(copy_src('norm_h','m'), sum('m','agg_h')): gather src feats, scatter-add to dst
    msgs = jnp.take(norm_h, src, axis=0)
    agg_h = jax.ops.segment_sum(msgs, dst, num_segments=n)
    # ndata['agg_h'] = agg_h * norm
    agg_h = agg_h * norm
    out = jnp.concatenate((h, agg_h), axis=1)
    out = jnp.matmul(out, weight)
    out = jax.nn.relu(out)
    out = _l2_normalize(out, axis=-1)
    out = jnp.matmul(out, weight2)
    out = jax.nn.relu(out)
    # dropout=0.0 and l2=0.0 -> no-ops
    return out

if __name__ == "__main__":
    import jax
    _d = setup_inputs()
    print(jax.jit(kernel)(*tuple(_d.values())))

</pallas_src>

<mosaic_0001>
#map = affine_map<(d0, d1) -> (0, 0)>
#map1 = affine_map<(d0, d1) -> (0)>
module attributes {stable_mosaic.version = 14 : i64} {
  func.func @body(%arg0: i32, %arg1: i32, %arg2: memref<10000x128xf32, #tpu.memory_space<hbm>>, %arg3: memref<321536xi32, #tpu.memory_space<hbm>>, %arg4: memref<321536xi32, #tpu.memory_space<hbm>>, %arg5: memref<632x128xf32, #tpu.memory_space<hbm>>, %arg6: memref<20224x128xf32, #tpu.memory_space<hbm>>, %arg7: memref<128xi32, #tpu.memory_space<vmem>>, %arg8: memref<128xi32, #tpu.memory_space<vmem>>, %arg9: memref<128x128xf32, #tpu.memory_space<vmem>>, %arg10: memref<10112x128xf32, #tpu.memory_space<vmem_shared>>, %arg11: memref<!tpu.dma_semaphore, #tpu.memory_space<semaphore_mem>>) attributes {dimension_semantics = [#tpu.dimension_semantics<core_parallel>, #tpu.dimension_semantics<subcore_parallel>], iteration_bounds = array<i64: 2, 16>, scalar_prefetch = 0 : i64, scratch_operands = 5 : i64, tpu.core_type = #tpu.core_type<sc_vector_subcore>, window_params = [{transform_indices = #map}, {transform_indices = #map1}, {transform_indices = #map1}, {transform_indices = #map}, {transform_indices = #map}]} {
    %mul3A = arith.constant 632 : i32
    %mul3A_0 = arith.muli %arg1, %mul3A : i32
    %multiple_of3A = tpu.assume_multiple %mul3A_0, 8 : i32
    "tpu.region"() ({
      %run_scoped3A = tpu.sem_alloc : memref<!tpu.dma_semaphore, #tpu.memory_space<semaphore_mem>>
      %dma_start3A = arith.constant 0 : i32
      %dma_start3A_25 = tpu.memref_slice %arg10[%multiple_of3A, %dma_start3A] : memref<10112x128xf32, #tpu.memory_space<vmem_shared>> -> memref<632x128xf32, #tpu.memory_space<vmem_shared>>
      tpu.enqueue_dma source(%arg5 : memref<632x128xf32, #tpu.memory_space<hbm>>) target(%dma_start3A_25 : memref<632x128xf32, #tpu.memory_space<vmem_shared>>) target_semaphore(%run_scoped3A : memref<!tpu.dma_semaphore, #tpu.memory_space<semaphore_mem>>)
      %dma_wait3A = arith.constant 0 : i32
      %dma_wait3A_26 = tpu.memref_slice %arg10[%multiple_of3A, %dma_wait3A] : memref<10112x128xf32, #tpu.memory_space<vmem_shared>> -> memref<632x128xf32, #tpu.memory_space<vmem_shared>>
      tpu.wait_dma2 semaphore(%run_scoped3A : memref<!tpu.dma_semaphore, #tpu.memory_space<semaphore_mem>>) src(%arg5 : memref<632x128xf32, #tpu.memory_space<hbm>>) dst(%dma_wait3A_26 : memref<632x128xf32, #tpu.memory_space<vmem_shared>>)
      tpu.yield
    }) : () -> ()
    %barrier3A = arith.constant 0 : index
    tpu.barrier barrier_id(%barrier3A)
    %mul3A_1 = arith.constant 20096 : i32
    %mul3A_2 = arith.muli %arg1, %mul3A_1 : i32
    %mul3A_3 = arith.constant 11520 : i32
    %mul3A_4 = arith.muli %arg0, %mul3A_3 : i32
    %add3A = arith.addi %mul3A_2, %mul3A_4 : i32
    %multiple_of3A_5 = tpu.assume_multiple %add3A, 8 : i32
    %eq3A = arith.constant 0 : i32
    %eq3A_6 = arith.cmpi eq, %arg0, %eq3A : i32
    %select_n3A = arith.constant 67 : i32
    %select_n3A_7 = arith.constant 90 : i32
    %select_n3A_8 = arith.select %eq3A_6, %select_n3A_7, %select_n3A : i32
    %while3A = arith.constant 0 : i32
    %while3A_9 = arith.constant 0 : i32
    %while3A_10 = arith.subi %select_n3A_8, %while3A_9 : i32
    %while3A_11 = arith.addi %while3A_9, %while3A_10 : i32
    %while3A_12 = arith.constant 1 : i32
    %while3A_13 = arith.divsi %while3A_10, %while3A_12 : i32
    %while3A_14 = arith.muli %while3A_13, %while3A_12 : i32
    %while3A_15 = arith.addi %while3A_9, %while3A_14 : i32
    %while3A_16 = arith.constant 1 : i32
    scf.for %while3A_25 = %while3A_9 to %while3A_15 step %while3A_16  : i32 {
      %mul3A_26 = arith.constant 128 : i32
      %mul3A_27 = arith.muli %while3A_25, %mul3A_26 : i32
      %add3A_28 = arith.addi %multiple_of3A_5, %mul3A_27 : i32
      %multiple_of3A_29 = tpu.assume_multiple %add3A_28, 8 : i32
      "tpu.region"() ({
        %run_scoped3A = tpu.sem_alloc : memref<!tpu.dma_semaphore, #tpu.memory_space<semaphore_mem>>
        %dma_start3A_34 = tpu.memref_slice %arg3[%multiple_of3A_29] : memref<321536xi32, #tpu.memory_space<hbm>> -> memref<128xi32, #tpu.memory_space<hbm>>
        %dma_start3A_35 = tpu.memref_slice %arg3[%multiple_of3A_29] : memref<321536xi32, #tpu.memory_space<hbm>> -> memref<128xi32, #tpu.memory_space<hbm>>
        tpu.enqueue_dma source(%dma_start3A_35 : memref<128xi32, #tpu.memory_space<hbm>>) target(%arg7 : memref<128xi32, #tpu.memory_space<vmem>>) target_semaphore(%run_scoped3A : memref<!tpu.dma_semaphore, #tpu.memory_space<semaphore_mem>>)
        %dma_wait3A_36 = tpu.memref_slice %arg3[%multiple_of3A_29] : memref<321536xi32, #tpu.memory_space<hbm>> -> memref<128xi32, #tpu.memory_space<hbm>>
        %dma_wait3A_37 = tpu.memref_slice %arg3[%multiple_of3A_29] : memref<321536xi32, #tpu.memory_space<hbm>> -> memref<128xi32, #tpu.memory_space<hbm>>
        tpu.wait_dma2 semaphore(%run_scoped3A : memref<!tpu.dma_semaphore, #tpu.memory_space<semaphore_mem>>) src(%dma_wait3A_37 : memref<128xi32, #tpu.memory_space<hbm>>) dst(%arg7 : memref<128xi32, #tpu.memory_space<vmem>>)
        tpu.yield
      }) : () -> ()
      "tpu.region"() ({
        %run_scoped3A = tpu.sem_alloc : memref<!tpu.dma_semaphore, #tpu.memory_space<semaphore_mem>>
        %dma_start3A_34 = tpu.memref_slice %arg4[%multiple_of3A_29] : memref<321536xi32, #tpu.memory_space<hbm>> -> memref<128xi32, #tpu.memory_space<hbm>>
        %dma_start3A_35 = tpu.memref_slice %arg4[%multiple_of3A_29] : memref<321536xi32, #tpu.memory_space<hbm>> -> memref<128xi32, #tpu.memory_space<hbm>>
        tpu.enqueue_dma source(%dma_start3A_35 : memref<128xi32, #tpu.memory_space<hbm>>) target(%arg8 : memref<128xi32, #tpu.memory_space<vmem>>) target_semaphore(%run_scoped3A : memref<!tpu.dma_semaphore, #tpu.memory_space<semaphore_mem>>)
        %dma_wait3A_36 = tpu.memref_slice %arg4[%multiple_of3A_29] : memref<321536xi32, #tpu.memory_space<hbm>> -> memref<128xi32, #tpu.memory_space<hbm>>
        %dma_wait3A_37 = tpu.memref_slice %arg4[%multiple_of3A_29] : memref<321536xi32, #tpu.memory_space<hbm>> -> memref<128xi32, #tpu.memory_space<hbm>>
        tpu.wait_dma2 semaphore(%run_scoped3A : memref<!tpu.dma_semaphore, #tpu.memory_space<semaphore_mem>>) src(%dma_wait3A_37 : memref<128xi32, #tpu.memory_space<hbm>>) dst(%arg8 : memref<128xi32, #tpu.memory_space<vmem>>)
        tpu.yield
      }) : () -> ()
      %dma_start3A = arith.constant 0 : i32
      %dma_start3A_30 = arith.constant 0 : i32
      %dma_start3A_31 = tpu.memref_slice %arg2[%dma_start3A, %dma_start3A_30] : memref<10000x128xf32, #tpu.memory_space<hbm>> -> memref<10000x128xf32, #tpu.memory_space<hbm>>
      tpu.enqueue_indirect_dma source(%dma_start3A_31 : memref<10000x128xf32, #tpu.memory_space<hbm>>) target(%arg9 : memref<128x128xf32, #tpu.memory_space<vmem>>) offsets(%arg7 : memref<128xi32, #tpu.memory_space<vmem>>) semaphore(%arg11 : memref<!tpu.dma_semaphore, #tpu.memory_space<semaphore_mem>>)
      %dma_wait3A = arith.constant 0 : i32
      %dma_wait3A_32 = arith.constant 0 : i32
      %dma_wait3A_33 = tpu.memref_slice %arg2[%dma_wait3A, %dma_wait3A_32] : memref<10000x128xf32, #tpu.memory_space<hbm>> -> memref<10000x128xf32, #tpu.memory_space<hbm>>
      tpu.wait_indirect_dma semaphore(%arg11 : memref<!tpu.dma_semaphore, #tpu.memory_space<semaphore_mem>>) src(%dma_wait3A_33 : memref<10000x128xf32, #tpu.memory_space<hbm>>) dst(%arg9 : memref<128x128xf32, #tpu.memory_space<vmem>>)
      "tpu.region"() ({
        %run_scoped3A = tpu.sem_alloc : memref<!tpu.dma_semaphore, #tpu.memory_space<semaphore_mem>>
        %dma_start3A_34 = arith.constant 0 : i32
        %dma_start3A_35 = arith.constant 0 : i32
        %dma_start3A_36 = tpu.memref_slice %arg10[%dma_start3A_34, %dma_start3A_35] : memref<10112x128xf32, #tpu.memory_space<vmem_shared>> -> memref<10112x128xf32, #tpu.memory_space<vmem_shared>>
        tpu.enqueue_indirect_dma source(%arg9 : memref<128x128xf32, #tpu.memory_space<vmem>>) target(%dma_start3A_36 : memref<10112x128xf32, #tpu.memory_space<vmem_shared>>) offsets(%arg8 : memref<128xi32, #tpu.memory_space<vmem>>) semaphore(%run_scoped3A : memref<!tpu.dma_semaphore, #tpu.memory_space<semaphore_mem>>) {add = true}
        %dma_wait3A_37 = arith.constant 0 : i32
        %dma_wait3A_38 = arith.constant 0 : i32
        %dma_wait3A_39 = tpu.memref_slice %arg10[%dma_wait3A_37, %dma_wait3A_38] : memref<10112x128xf32, #tpu.memory_space<vmem_shared>> -> memref<10112x128xf32, #tpu.memory_space<vmem_shared>>
        tpu.wait_indirect_dma semaphore(%run_scoped3A : memref<!tpu.dma_semaphore, #tpu.memory_space<semaphore_mem>>) src(%arg9 : memref<128x128xf32, #tpu.memory_space<vmem>>) dst(%dma_wait3A_39 : memref<10112x128xf32, #tpu.memory_space<vmem_shared>>)
        tpu.yield
      }) : () -> ()
    }
    %while3A_17 = arith.constant 1 : i32
    scf.for %while3A_25 = %while3A_15 to %while3A_11 step %while3A_17  : i32 {
      %mul3A_26 = arith.constant 128 : i32
      %mul3A_27 = arith.muli %while3A_25, %mul3A_26 : i32
      %add3A_28 = arith.addi %multiple_of3A_5, %mul3A_27 : i32
      %multiple_of3A_29 = tpu.assume_multiple %add3A_28, 8 : i32
      "tpu.region"() ({
        %run_scoped3A = tpu.sem_alloc : memref<!tpu.dma_semaphore, #tpu.memory_space<semaphore_mem>>
        %dma_start3A_34 = tpu.memref_slice %arg3[%multiple_of3A_29] : memref<321536xi32, #tpu.memory_space<hbm>> -> memref<128xi32, #tpu.memory_space<hbm>>
        %dma_start3A_35 = tpu.memref_slice %arg3[%multiple_of3A_29] : memref<321536xi32, #tpu.memory_space<hbm>> -> memref<128xi32, #tpu.memory_space<hbm>>
        tpu.enqueue_dma source(%dma_start3A_35 : memref<128xi32, #tpu.memory_space<hbm>>) target(%arg7 : memref<128xi32, #tpu.memory_space<vmem>>) target_semaphore(%run_scoped3A : memref<!tpu.dma_semaphore, #tpu.memory_space<semaphore_mem>>)
        %dma_wait3A_36 = tpu.memref_slice %arg3[%multiple_of3A_29] : memref<321536xi32, #tpu.memory_space<hbm>> -> memref<128xi32, #tpu.memory_space<hbm>>
        %dma_wait3A_37 = tpu.memref_slice %arg3[%multiple_of3A_29] : memref<321536xi32, #tpu.memory_space<hbm>> -> memref<128xi32, #tpu.memory_space<hbm>>
        tpu.wait_dma2 semaphore(%run_scoped3A : memref<!tpu.dma_semaphore, #tpu.memory_space<semaphore_mem>>) src(%dma_wait3A_37 : memref<128xi32, #tpu.memory_space<hbm>>) dst(%arg7 : memref<128xi32, #tpu.memory_space<vmem>>)
        tpu.yield
      }) : () -> ()
      "tpu.region"() ({
        %run_scoped3A = tpu.sem_alloc : memref<!tpu.dma_semaphore, #tpu.memory_space<semaphore_mem>>
        %dma_start3A_34 = tpu.memref_slice %arg4[%multiple_of3A_29] : memref<321536xi32, #tpu.memory_space<hbm>> -> memref<128xi32, #tpu.memory_space<hbm>>
        %dma_start3A_35 = tpu.memref_slice %arg4[%multiple_of3A_29] : memref<321536xi32, #tpu.memory_space<hbm>> -> memref<128xi32, #tpu.memory_space<hbm>>
        tpu.enqueue_dma source(%dma_start3A_35 : memref<128xi32, #tpu.memory_space<hbm>>) target(%arg8 : memref<128xi32, #tpu.memory_space<vmem>>) target_semaphore(%run_scoped3A : memref<!tpu.dma_semaphore, #tpu.memory_space<semaphore_mem>>)
        %dma_wait3A_36 = tpu.memref_slice %arg4[%multiple_of3A_29] : memref<321536xi32, #tpu.memory_space<hbm>> -> memref<128xi32, #tpu.memory_space<hbm>>
        %dma_wait3A_37 = tpu.memref_slice %arg4[%multiple_of3A_29] : memref<321536xi32, #tpu.memory_space<hbm>> -> memref<128xi32, #tpu.memory_space<hbm>>
        tpu.wait_dma2 semaphore(%run_scoped3A : memref<!tpu.dma_semaphore, #tpu.memory_space<semaphore_mem>>) src(%dma_wait3A_37 : memref<128xi32, #tpu.memory_space<hbm>>) dst(%arg8 : memref<128xi32, #tpu.memory_space<vmem>>)
        tpu.yield
      }) : () -> ()
      %dma_start3A = arith.constant 0 : i32
      %dma_start3A_30 = arith.constant 0 : i32
      %dma_start3A_31 = tpu.memref_slice %arg2[%dma_start3A, %dma_start3A_30] : memref<10000x128xf32, #tpu.memory_space<hbm>> -> memref<10000x128xf32, #tpu.memory_space<hbm>>
      tpu.enqueue_indirect_dma source(%dma_start3A_31 : memref<10000x128xf32, #tpu.memory_space<hbm>>) target(%arg9 : memref<128x128xf32, #tpu.memory_space<vmem>>) offsets(%arg7 : memref<128xi32, #tpu.memory_space<vmem>>) semaphore(%arg11 : memref<!tpu.dma_semaphore, #tpu.memory_space<semaphore_mem>>)
      %dma_wait3A = arith.constant 0 : i32
      %dma_wait3A_32 = arith.constant 0 : i32
      %dma_wait3A_33 = tpu.memref_slice %arg2[%dma_wait3A, %dma_wait3A_32] : memref<10000x128xf32, #tpu.memory_space<hbm>> -> memref<10000x128xf32, #tpu.memory_space<hbm>>
      tpu.wait_indirect_dma semaphore(%arg11 : memref<!tpu.dma_semaphore, #tpu.memory_space<semaphore_mem>>) src(%dma_wait3A_33 : memref<10000x128xf32, #tpu.memory_space<hbm>>) dst(%arg9 : memref<128x128xf32, #tpu.memory_space<vmem>>)
      "tpu.region"() ({
        %run_scoped3A = tpu.sem_alloc : memref<!tpu.dma_semaphore, #tpu.memory_space<semaphore_mem>>
        %dma_start3A_34 = arith.constant 0 : i32
        %dma_start3A_35 = arith.constant 0 : i32
        %dma_start3A_36 = tpu.memref_slice %arg10[%dma_start3A_34, %dma_start3A_35] : memref<10112x128xf32, #tpu.memory_space<vmem_shared>> -> memref<10112x128xf32, #tpu.memory_space<vmem_shared>>
        tpu.enqueue_indirect_dma source(%arg9 : memref<128x128xf32, #tpu.memory_space<vmem>>) target(%dma_start3A_36 : memref<10112x128xf32, #tpu.memory_space<vmem_shared>>) offsets(%arg8 : memref<128xi32, #tpu.memory_space<vmem>>) semaphore(%run_scoped3A : memref<!tpu.dma_semaphore, #tpu.memory_space<semaphore_mem>>) {add = true}
        %dma_wait3A_37 = arith.constant 0 : i32
        %dma_wait3A_38 = arith.constant 0 : i32
        %dma_wait3A_39 = tpu.memref_slice %arg10[%dma_wait3A_37, %dma_wait3A_38] : memref<10112x128xf32, #tpu.memory_space<vmem_shared>> -> memref<10112x128xf32, #tpu.memory_space<vmem_shared>>
        tpu.wait_indirect_dma semaphore(%run_scoped3A : memref<!tpu.dma_semaphore, #tpu.memory_space<semaphore_mem>>) src(%arg9 : memref<128x128xf32, #tpu.memory_space<vmem>>) dst(%dma_wait3A_39 : memref<10112x128xf32, #tpu.memory_space<vmem_shared>>)
        tpu.yield
      }) : () -> ()
    }
    %barrier3A_18 = arith.constant 0 : index
    tpu.barrier barrier_id(%barrier3A_18)
    %mul3A_19 = arith.constant 10112 : i32
    %mul3A_20 = arith.muli %arg0, %mul3A_19 : i32
    %mul3A_21 = arith.constant 632 : i32
    %mul3A_22 = arith.muli %arg1, %mul3A_21 : i32
    %add3A_23 = arith.addi %mul3A_20, %mul3A_22 : i32
    %multiple_of3A_24 = tpu.assume_multiple %add3A_23, 8 : i32
    "tpu.region"() ({
      %run_scoped3A = tpu.sem_alloc : memref<!tpu.dma_semaphore, #tpu.memory_space<semaphore_mem>>
      %dma_start3A = arith.constant 0 : i32
      %dma_start3A_25 = tpu.memref_slice %arg6[%multiple_of3A_24, %dma_start3A] : memref<20224x128xf32, #tpu.memory_space<hbm>> -> memref<632x128xf32, #tpu.memory_space<hbm>>
      %dma_start3A_26 = arith.constant 0 : i32
      %dma_start3A_27 = tpu.memref_slice %arg10[%multiple_of3A, %dma_start3A_26] : memref<10112x128xf32, #tpu.memory_space<vmem_shared>> -> memref<632x128xf32, #tpu.memory_space<vmem_shared>>
      tpu.enqueue_dma source(%dma_start3A_27 : memref<632x128xf32, #tpu.memory_space<vmem_shared>>) target(%dma_start3A_25 : memref<632x128xf32, #tpu.memory_space<hbm>>) target_semaphore(%run_scoped3A : memref<!tpu.dma_semaphore, #tpu.memory_space<semaphore_mem>>)
      %dma_wait3A = arith.constant 0 : i32
      %dma_wait3A_28 = tpu.memref_slice %arg6[%multiple_of3A_24, %dma_wait3A] : memref<20224x128xf32, #tpu.memory_space<hbm>> -> memref<632x128xf32, #tpu.memory_space<hbm>>
      %dma_wait3A_29 = arith.constant 0 : i32
      %dma_wait3A_30 = tpu.memref_slice %arg10[%multiple_of3A, %dma_wait3A_29] : memref<10112x128xf32, #tpu.memory_space<vmem_shared>> -> memref<632x128xf32, #tpu.memory_space<vmem_shared>>
      tpu.wait_dma2 semaphore(%run_scoped3A : memref<!tpu.dma_semaphore, #tpu.memory_space<semaphore_mem>>) src(%dma_wait3A_30 : memref<632x128xf32, #tpu.memory_space<vmem_shared>>) dst(%dma_wait3A_28 : memref<632x128xf32, #tpu.memory_space<hbm>>)
      tpu.yield
    }) : () -> ()
    return
  }
}

module attributes {stable_mosaic.version = 14 : i64} {
  func.func @_scale_body(%arg0: i32, %arg1: memref<1000x128xf32, #tpu.memory_space<vmem>>, %arg2: memref<1000x1xf32, #tpu.memory_space<vmem>>, %arg3: memref<1000x128xf32, #tpu.memory_space<vmem>>) attributes {dimension_semantics = [#tpu.dimension_semantics<arbitrary>], iteration_bounds = array<i64: 10>, scalar_prefetch = 0 : i64, scratch_operands = 0 : i64, tpu.core_type = #tpu.core_type<tc>, window_params = [{transform_indices = @transform_0, window_bounds = array<i64: 1000, 128>}, {transform_indices = @transform_1, window_bounds = array<i64: 1000, 1>}, {transform_indices = @transform_2, window_bounds = array<i64: 1000, 128>}]} {
    %get3A = arith.constant 0 : index
    %get3A_0 = arith.constant 0 : index
    %get3A_1 = vector.load %arg1[%get3A, %get3A_0] : memref<1000x128xf32, #tpu.memory_space<vmem>>, vector<1000x128xf32>
    %get3A_2 = arith.constant 0 : index
    %get3A_3 = arith.constant 0 : index
    %get3A_4 = vector.load %arg2[%get3A_2, %get3A_3] : memref<1000x1xf32, #tpu.memory_space<vmem>>, vector<1000x1xf32>
    %mul3A = vector.broadcast %get3A_4 : vector<1000x1xf32> to vector<1000x128xf32>
    %mul3A_5 = arith.mulf %get3A_1, %mul3A : vector<1000x128xf32>
    %swap3A = arith.constant 0 : index
    %swap3A_6 = arith.constant 0 : index
    %swap3A_7 = vector.load %arg3[%swap3A, %swap3A_6] : memref<1000x128xf32, #tpu.memory_space<vmem>>, vector<1000x128xf32>
    tpu.vector_store %arg3[%swap3A, %swap3A_6], %mul3A_5 {strides = array<i32>} : memref<1000x128xf32, #tpu.memory_space<vmem>>, vector<1000x128xf32>,
    return
  }
  func.func @transform_0(%arg0: i32) -> (i32, i32) {
    %c0_i32 = arith.constant 0 : i32
    %c0_i32_0 = arith.constant 0 : i32
    return %arg0, %c0_i32 : i32, i32
  }
  func.func @transform_1(%arg0: i32) -> (i32, i32) {
    %c0_i32 = arith.constant 0 : i32
    %c0_i32_0 = arith.constant 0 : i32
    return %arg0, %c0_i32 : i32, i32
  }
  func.func @transform_2(%arg0: i32) -> (i32, i32) {
    %c0_i32 = arith.constant 0 : i32
    %c0_i32_0 = arith.constant 0 : i32
    return %arg0, %c0_i32 : i32, i32
  }
}

module attributes {stable_mosaic.version = 14 : i64} {
  func.func @_mm_body(%arg0: i32, %arg1: memref<1000x128xf32, #tpu.memory_space<vmem>>, %arg2: memref<2x1000x128xf32, #tpu.memory_space<vmem>>, %arg3: memref<1000x1xf32, #tpu.memory_space<vmem>>, %arg4: memref<256x256xf32, #tpu.memory_space<vmem>>, %arg5: memref<256x128xf32, #tpu.memory_space<vmem>>, %arg6: memref<1000x128xf32, #tpu.memory_space<vmem>>) attributes {dimension_semantics = [#tpu.dimension_semantics<arbitrary>], iteration_bounds = array<i64: 10>, scalar_prefetch = 0 : i64, scratch_operands = 0 : i64, tpu.core_type = #tpu.core_type<tc>, window_params = [{transform_indices = @transform_0, window_bounds = array<i64: 1000, 128>}, {transform_indices = @transform_1, window_bounds = array<i64: 2, 1000, 128>}, {transform_indices = @transform_2, window_bounds = array<i64: 1000, 1>}, {pipeline_mode = #tpu.pipeline_mode<synchronous>, transform_indices = @transform_3, window_bounds = array<i64: 256, 256>}, {pipeline_mode = #tpu.pipeline_mode<synchronous>, transform_indices = @transform_4, window_bounds = array<i64: 256, 128>}, {transform_indices = @transform_5, window_bounds = array<i64: 1000, 128>}]} {
    %get3A = arith.constant 0 : index
    %get3A_0 = arith.constant 0 : index
    %get3A_1 = vector.load %arg3[%get3A, %get3A_0] : memref<1000x1xf32, #tpu.memory_space<vmem>>, vector<1000x1xf32>
    %get3A_2 = arith.constant 0 : index
    %get3A_3 = arith.constant 0 : index
    %get3A_4 = arith.constant 0 : index
    %get3A_5 = vector.load %arg2[%get3A_2, %get3A_3, %get3A_4] : memref<2x1000x128xf32, #tpu.memory_space<vmem>>, vector<1x1000x128xf32>
    %get3A_6 = vector.shape_cast %get3A_5 : vector<1x1000x128xf32> to vector<1000x128xf32>
    %get3A_7 = arith.constant 1 : index
    %get3A_8 = arith.constant 0 : index
    %get3A_9 = arith.constant 0 : index
    %get3A_10 = vector.load %arg2[%get3A_7, %get3A_8, %get3A_9] : memref<2x1000x128xf32, #tpu.memory_space<vmem>>, vector<1x1000x128xf32>
    %get3A_11 = vector.shape_cast %get3A_10 : vector<1x1000x128xf32> to vector<1000x128xf32>
    %add3A = arith.addf %get3A_6, %get3A_11 : vector<1000x128xf32>
    %mul3A = vector.broadcast %get3A_1 : vector<1000x1xf32> to vector<1000x128xf32>
    %mul3A_12 = arith.mulf %add3A, %mul3A : vector<1000x128xf32>
    %get3A_13 = arith.constant 0 : index
    %get3A_14 = arith.constant 0 : index
    %get3A_15 = vector.load %arg1[%get3A_13, %get3A_14] : memref<1000x128xf32, #tpu.memory_space<vmem>>, vector<1000x128xf32>
    %concatenate3A = tpu.concatenate %get3A_15, %mul3A_12 in 1 : vector<1000x128xf32>, vector<1000x128xf32> -> vector<1000x256xf32>
    %get3A_16 = arith.constant 0 : index
    %get3A_17 = arith.constant 0 : index
    %get3A_18 = vector.load %arg4[%get3A_16, %get3A_17] : memref<256x256xf32, #tpu.memory_space<vmem>>, vector<256x256xf32>
    %dot_general3A = arith.constant dense<0.000000e+00> : vector<1000x256xf32>
    %dot_general3A_19 = tpu.matmul %concatenate3A, %get3A_18, %dot_general3A {dimension_numbers = #tpu.dot_dimension_numbers<[1], [0], [0], [1], [0, 0, 1, 1], [], []>, transpose_lhs_hint = false} : vector<1000x256xf32>, vector<256x256xf32>, vector<1000x256xf32> -> vector<1000x256xf32>
    %max3A = arith.constant 0.000000e+00 : f32
    %max3A_20 = vector.broadcast %max3A : f32 to vector<1000x256xf32>
    %max3A_21 = arith.maximumf %dot_general3A_19, %max3A_20 : vector<1000x256xf32>
    %mul3A_22 = arith.mulf %max3A_21, %max3A_21 : vector<1000x256xf32>
    %reduce_sum3A = arith.constant dense<0.000000e+00> : vector<1000xf32>
    %reduce_sum3A_23 = vector.multi_reduction <add>, %mul3A_22, %reduce_sum3A [1] : vector<1000x256xf32> to vector<1000xf32>
    %broadcast_in_dim3A = vector.shape_cast %reduce_sum3A_23 : vector<1000xf32> to vector<1000x1xf32>
    %max3A_24 = arith.constant 9.99999996E-13 : f32
    %max3A_25 = vector.broadcast %max3A_24 : f32 to vector<1000x1xf32>
    %max3A_26 = arith.maximumf %broadcast_in_dim3A, %max3A_25 : vector<1000x1xf32>
    %rsqrt3A = math.rsqrt %max3A_26 : vector<1000x1xf32>
    %mul3A_27 = vector.broadcast %rsqrt3A : vector<1000x1xf32> to vector<1000x256xf32>
    %mul3A_28 = arith.mulf %max3A_21, %mul3A_27 : vector<1000x256xf32>
    %get3A_29 = arith.constant 0 : index
    %get3A_30 = arith.constant 0 : index
    %get3A_31 = vector.load %arg5[%get3A_29, %get3A_30] : memref<256x128xf32, #tpu.memory_space<vmem>>, vector<256x128xf32>
    %dot_general3A_32 = arith.constant dense<0.000000e+00> : vector<1000x128xf32>
    %dot_general3A_33 = tpu.matmul %mul3A_28, %get3A_31, %dot_general3A_32 {dimension_numbers = #tpu.dot_dimension_numbers<[1], [0], [0], [1], [0, 0, 1, 1], [], []>, transpose_lhs_hint = false} : vector<1000x256xf32>, vector<256x128xf32>, vector<1000x128xf32> -> vector<1000x128xf32>
    %max3A_34 = arith.constant 0.000000e+00 : f32
    %max3A_35 = vector.broadcast %max3A_34 : f32 to vector<1000x128xf32>
    %max3A_36 = arith.maximumf %dot_general3A_33, %max3A_35 : vector<1000x128xf32>
    %swap3A = arith.constant 0 : index
    %swap3A_37 = arith.constant 0 : index
    %swap3A_38 = vector.load %arg6[%swap3A, %swap3A_37] : memref<1000x128xf32, #tpu.memory_space<vmem>>, vector<1000x128xf32>
    tpu.vector_store %arg6[%swap3A, %swap3A_37], %max3A_36 {strides = array<i32>} : memref<1000x128xf32, #tpu.memory_space<vmem>>, vector<1000x128xf32>,
    return
  }
  func.func @transform_0(%arg0: i32) -> (i32, i32) {
    %c0_i32 = arith.constant 0 : i32
    %c0_i32_0 = arith.constant 0 : i32
    return %arg0, %c0_i32 : i32, i32
  }
  func.func @transform_1(%arg0: i32) -> (i32, i32, i32) {
    %c0_i32 = arith.constant 0 : i32
    %c0_i32_0 = arith.constant 0 : i32
    %c0_i32_1 = arith.constant 0 : i32
    return %c0_i32, %arg0, %c0_i32_0 : i32, i32, i32
  }
  func.func @transform_2(%arg0: i32) -> (i32, i32) {
    %c0_i32 = arith.constant 0 : i32
    %c0_i32_0 = arith.constant 0 : i32
    return %arg0, %c0_i32 : i32, i32
  }
  func.func @transform_3(%arg0: i32) -> (i32, i32) {
    %c0_i32 = arith.constant 0 : i32
    %c0_i32_0 = arith.constant 0 : i32
    %c0_i32_1 = arith.constant 0 : i32
    return %c0_i32, %c0_i32_0 : i32, i32
  }
  func.func @transform_4(%arg0: i32) -> (i32, i32) {
    %c0_i32 = arith.constant 0 : i32
    %c0_i32_0 = arith.constant 0 : i32
    %c0_i32_1 = arith.constant 0 : i32
    return %c0_i32, %c0_i32_0 : i32, i32
  }
  func.func @transform_5(%arg0: i32) -> (i32, i32) {
    %c0_i32 = arith.constant 0 : i32
    %c0_i32_0 = arith.constant 0 : i32
    return %arg0, %c0_i32 : i32, i32
  }
}

</mosaic_0001>

<sc_bundles>
// kernel: kernel.5.cloned.1.call-start
scs
__scs_entry_jumppad:
0x0: {  	(pc) =	sbr.rel $0x88, $3  }
0x1: {  	(tag) =	ssettag $0x0;
	lr =	simm.s32 $0x1  }
0x2: {  	[smem:$0x3F9C] =	sst lr;
	_ =	strace $0xD0000000  }
0x3: {  	_ = 	snop  }
0x4: {  	_ = 	snop  }
0x5: {  	_ = 	snop  }
0x6: {  	_ = 	snop  }
0x7: {  	_ = 	snop  }
__scs_overlays_trampoline_lowered:
0x8: {  	[smem:$0x3FAB] =	sst s0  }
0x9: {  	[smem:$0x3FAC] =	sst s1  }
0xa: {  	[smem:$0x3FAD] =	sst s2  }
0xb: {  	[smem:$0x3FAE] =	sst s3  }
0xc: {  	[smem:$0x3FAF] =	sst s4  }
0xd: {  	[smem:$0x3FB0] =	sst s5  }
0xe: {  	[smem:$0x3FB1] =	sst s6  }
0xf: {  	[smem:$0x3FB2] =	sst s7  }
0x10: {  	[smem:$0x3FB3] =	sst s8  }
0x11: {  	[smem:$0x3FB4] =	sst s9;
	s0 =	simm.s32 @!p0 $0x0  }
0x12: {  	s1 =	sld [smem:$0x3F9A];
	s0 =	simm.s32 @p0 $0x1  }
0x13: {  	[smem:$0x3FB5] =	sst s0;
	s0 =	simm.s32 @!p1 $0x0  }
0x14: {  	s2 =	sld [smem:$0x3F99];
	s0 =	simm.s32 @p1 $0x1  }
0x15: {  	[smem:$0x3FB6] =	sst s0;
	s0 =	simm.s32 @!p2 $0x0  }
0x16: {  	s3 =	sld [smem:$0x3FDB];
	s0 =	simm.s32 @p2 $0x1  }
0x17: {  	s4 =	simm.s32 $0x1BF5;
	[smem:$0x3FB8] =	sst s0  }
0x18: {  	s0 =	sld [smem:$0x3F9B];
	_ =	swait.ge [sflag:s4], $0x0  }
0x19: {  	s7 =	sld [smem:$0x3F9C]  }
0x1a: {  	s8 =	sadd.s32 $0xFFFFE003, lr  }
0x1b: {  	s9 =	sadd.s32 $0xFFFFFEF7, lr;
	s5 =	simm.s32 $0xFFFFFFFF;
	p2 =	slt.u32 s8, $0xFFFFF086  }
0x1c: {  	p1 =	slt.u32 s9, $0xF7A;
	s5 =	simm.s32 @!p2 $0x0  }
0x1d: {  	s5 =	simm.s32 @p1 $0x1;
	p0 =	seq.s32 s7, s2  }
0x1e: {  	s7 =	smul.u32 @!p0 $0xF7A, s2;
	p2 =	seq.s32 @!p0 s5, $0x0  }
0x1f: {  	s9 =	smul.u32 $0xF7A, s1;
	s8 =	simm.s32 @!p0 $0x1BF5;
	p2 =	por !p2, p0  }
0x20: {  	[sflag:s8] =	ssyncset.s32 @!p0 $0xFFFFF086;
	s6 =	sadd.s32 @!p0 s3, s7;
	s7 =	simm.s32 @!p0 $0x108  }
0x21: {  	s3 =	sadd.s32 s3, s9;
	s6 =	sadd.s32 @!p0 $0x88, s6;
	s7 =	simm.s32 @p2 $0x1082  }
0x22: {  	[simem:s7], [sflag:s8] =	dma.local @!p0 [hbm:s6], $0xF7A  }
0x23: {  	s9 =	sor.u32 $0xD0000000, s2;
	s6 =	simm.s32 $0x108;
	_ =	swait.ge @!p0 [sflag:s8], $0x0  }
0x24: {  	s3 =	sadd.s32 $0x88, s3;
	s6 =	simm.s32 @!p1 $0x1082;
	[sflag:s4] =	ssyncset.s32 $0xFFFFF086  }
0x25: {  	[simem:s6], [sflag:s4] =	dma.local [hbm:s3], $0xF7A  }
0x26: {  	[smem:$0x3F9C] =	sst s1;
	(tag) =	ssettag s2;
	_ =	strace s9  }
0x27: {  	s1 =	sld [smem:$0x3FAC]  }
0x28: {  	s2 =	sld [smem:$0x3FAD]  }
0x29: {  	s4 =	sld [smem:$0x3FAF]  }
0x2a: {  	p0 =	seq.s32 s5, $0x0;
	s5 =	sld [smem:$0x3FB0]  }
0x2b: {  	s6 =	sld [smem:$0x3FB1]  }
0x2c: {  	s7 =	sld [smem:$0x3FB2]  }
0x2d: {  	s3 =	simm.s32 $0x108;
	s8 =	sld [smem:$0x3FB3]  }
0x2e: {  	s3 =	simm.s32 @!p0 $0x1082;
	s9 =	sld [smem:$0x3FB4]  }
0x2f: {  	lr =	sadd.s32 s0, s3;
	s0 =	sld [smem:$0x3FAB]  }
0x30: {  	s3 =	sld [smem:$0x3FAE]  }
0x31: {  	[smem:$0x3FB7] =	sst s10  }
0x32: {  	s10 =	sld [smem:$0x3FB5];
	_ =	sdelay $0x3  }
0x33: {  	p0 =	seq.s32 s10, $0x1;
	s10 =	sld [smem:$0x3FB7];
	_ =	sdelay $0x3  }
0x34: {  	[smem:$0x3FB7] =	sst s10  }
0x35: {  	s10 =	sld [smem:$0x3FB6];
	_ =	sdelay $0x3  }
0x36: {  	p1 =	seq.s32 s10, $0x1;
	s10 =	sld [smem:$0x3FB7];
	_ =	sdelay $0x3  }
0x37: {  	[smem:$0x3FB7] =	sst s10  }
0x38: {  	s10 =	sld [smem:$0x3FB8]  }
0x39: {  	_ = 	snop;
	(pc) =	sbr.ind lr, $3  }
0x3a: {  	_ = 	snop  }
0x3b: {  	_ = 	snop  }
0x3c: {  	p2 =	seq.s32 s10, $0x1;
	s10 =	sld [smem:$0x3FB7]  }
0x3d: {  	_ =	shalt  }
0x3e: {  	_ =	shalt  }
0x3f: {  	_ =	shalt  }
0x40: {  	_ =	shalt  }
0x41: {  	_ =	shalt  }
0x42: {  	_ =	shalt  }
0x43: {  	_ =	shalt  }
0x44: {  	_ =	shalt  }
0x45: {  	_ =	shalt  }
0x46: {  	_ =	shalt  }
0x47: {  	_ =	shalt  }
0x48: {  	_ =	shalt  }
0x49: {  	_ =	shalt  }
0x4a: {  	_ =	shalt  }
0x4b: {  	_ =	shalt  }
0x4c: {  	_ =	shalt  }
0x4d: {  	_ =	shalt  }
0x4e: {  	_ =	shalt  }
0x4f: {  	_ =	shalt  }
0x50: {  	_ =	shalt  }
0x51: {  	_ =	shalt  }
0x52: {  	_ =	shalt  }
0x53: {  	_ =	shalt  }
0x54: {  	_ =	shalt  }
0x55: {  	_ =	shalt  }
0x56: {  	_ =	shalt  }
0x57: {  	_ =	shalt  }
0x58: {  	_ =	shalt  }
0x59: {  	_ =	shalt  }
0x5a: {  	_ =	shalt  }
0x5b: {  	_ =	shalt  }
0x5c: {  	_ =	shalt  }
0x5d: {  	_ =	shalt  }
0x5e: {  	_ =	shalt  }
0x5f: {  	_ =	shalt  }
0x60: {  	_ =	shalt  }
0x61: {  	_ =	shalt  }
0x62: {  	_ =	shalt  }
0x63: {  	_ =	shalt  }
0x64: {  	_ =	shalt  }
0x65: {  	_ =	shalt  }
0x66: {  	_ =	shalt  }
0x67: {  	_ =	shalt  }
0x68: {  	_ =	shalt  }
0x69: {  	_ =	shalt  }
0x6a: {  	_ =	shalt  }
0x6b: {  	_ =	shalt  }
0x6c: {  	_ =	shalt  }
0x6d: {  	_ =	shalt  }
0x6e: {  	_ =	shalt  }
0x6f: {  	_ =	shalt  }
0x70: {  	_ =	shalt  }
0x71: {  	_ =	shalt  }
0x72: {  	_ =	shalt  }
0x73: {  	_ =	shalt  }
0x74: {  	_ =	shalt  }
0x75: {  	_ =	shalt  }
0x76: {  	_ =	shalt  }
0x77: {  	_ =	shalt  }
0x78: {  	_ =	shalt  }
0x79: {  	_ =	shalt  }
0x7a: {  	_ =	shalt  }
0x7b: {  	_ =	shalt  }
0x7c: {  	_ =	shalt  }
0x7d: {  	_ =	shalt  }
0x7e: {  	_ =	shalt  }
0x7f: {  	_ =	shalt  }
0x80: {  	_ =	shalt  }
0x81: {  	_ =	shalt  }
0x82: {  	_ =	shalt  }
0x83: {  	_ =	shalt  }
0x84: {  	_ =	shalt  }
0x85: {  	_ =	shalt  }
0x86: {  	_ =	shalt  }
0x87: {  	_ =	shalt  }
.Lfunc_end0:
.L_simem_size_0:
called_computation_lowered:
.L_overlay_start_0:
0x88: {  	s2 =	sld [smem:$0x3FD9]  }
0x89: {  	s3 =	sld [smem:$0x3FFE];
	_ =	sdelay $0x1  }
0x8a: {  	s1 =	srdreg.scid  }
0x8b: {  	s0 =	sand.u32 $0x1, s1  }
0x8c: {  	s17 =	sshll.u32 s0, $0xA;
	s2 =	sadd.s32 s3, s2  }
0x8d: {  	s2 =	sadd.s32 s2, s17  }
0x8e: {  	[smem:$0x3FC3] =	sst s2  }
0x8f: {  	_ = 	snop  }
0x90: {  	s2 =	sld [smem:$0x3FD0];
	(tm) =	ssettm $0x1  }
0x91: {  	s18 =	sld [smem:$0x3FFB];
	_ =	sdelay $0x3  }
0x92: {  	_ =	strace s18  }
0x93: {  	s3 =	sld [smem:$0x3FFC];
	_ =	sdelay $0x3  }
0x94: {  	_ =	strace s3  }
0x95: {  	s3 =	sld [smem:$0x3FFD];
	_ =	sdelay $0x3  }
0x96: {  	_ =	strace s3  }
0x97: {  	_ =	strace $0x8FFFFFFF  }
0x98: {  	s19 =	sld [smem:$0x3FDB];
	_ =	sdelay $0x1  }
0x99: {  	s4 =	simm.s32 $_scs_section_size  }
0x9a: {  	s5 =	simm.s32 $_size__tile_overlayer_lowered;
	s6 =	simm.s32 $_tile_overlayer_lowered  }
0x9b: {  	s22 =	simm.s32 $0x1BFF;
	s21 =	sshll.u32 s6, $0x1;
	s3 =	sadd.s32 s4, s19  }
0x9c: {  	s7 =	simm.s32 $0x0;
	s20 =	sshll.u32 s5, $0x1;
	s5 =	sadd.s32 s21, s3  }
0x9d: {  	[timem:s7], [sflag:s22] =	dma.local [hbm:s5], s20  }
0x9e: {  	_ =	swait.ge [sflag:s22], s20  }
0x9f: {  	s4 =	ssub.s32 $0x0, s20;
	[sflag:s22] =	ssyncset.done $0x0  }
0xa0: {  	[sflag:s22] =	ssyncadd.s32 s4;
	_ =	sdelay $0x1  }
0xa1: {  	s23 =	simm.s32 $0x1B8B  }
0xa2: {  	_ =	swait.ge [sflag:s23], $0x1  }
0xa3: {  	[sflag:s23] =	ssyncset.done $0x0  }
0xa4: {  	s25 =	simm.s32 $0x1B8E;
	s24 =	sld [smem:$0x3FFE];
	[sflag:s23] =	ssyncadd.s32 $0xFFFFFFFF  }
0xa5: {  	s26 =	simm.s32 $execute0_lowered;
	[smem:$0x3FD2] =	sst s25  }
0xa6: {  	s5 =	sshll.u32 s26, $0x1;
	_ =	strace $0x80000046;
	[dreg:$0x1] =	wrdreg $0xFFFFFFFF  }
0xa7: {  	s28 =	simm.s32 $_size_execute0_lowered;
	s3 =	sadd.s32 s3, s5;
	[dreg:$0x0] =	wrdreg $0x0  }
0xa8: {  	s5 =	sshll.u32 s28, $0x1;
	[dreg:$0x2] =	wrdreg s3  }
0xa9: {  	[dreg:$0x3] =	wrdreg s5  }
0xaa: {  	[dreg:$0x4] =	wrdreg $0xC0  }
0xab: {  	_ =	task [dreg:s7], $0x5FFFF  }
0xac: {  	[dreg:$0x1] =	wrdreg $0xFFFFFFFF  }
0xad: {  	[dreg:$0x0] =	wrdreg $0x60  }
0xae: {  	[dreg:$0x2] =	wrdreg s2  }
0xaf: {  	[dreg:$0x3] =	wrdreg s24  }
0xb0: {  	[dreg:$0x4] =	wrdreg $0x41000  }
0xb1: {  	[dreg:$0x5] =	wrdreg $0x9  }
0xb2: {  	_ =	task.clear_ibuf [dreg:s7], $0x6FFFF;
	_ =	strace $0x90000046  }
0xb3: {  	s29 =	simm.s32 $0x9;
	_ =	strace $0x80000048  }
0xb4: {  	_ =	swait.ge [sflag:s29], $0x1  }
0xb5: {  	[sflag:s29] =	ssyncadd.s32 $0xFFFFFFFF  }
0xb6: {  	_ =	strace $0x90000048  }
0xb7: {  	_ =	sfence  }
0xb8: {  	s30 =	sld [smem:$0x0];
	_ =	sdelay $0x2  }
0xb9: {  	s31 =	sshll.u32 s1, $0xD;
	s1 =	sshrl.u32 s1, $0x2  }
0xba: {  	s3 =	sand.u32 $0x4000, s31;
	s1 =	sadd.s32 s1, s30  }
0xbb: {  	s0 =	sor.u32 s3, s0;
	s1 =	sshll.u32 s1, $0x11  }
0xbc: {  	s0 =	sor.u32 s1, s0  }
0xbd: {  	s0 =	sadd.s32 $0x8F2B, s0  }
0xbe: {  	[sflag:s0] =	ssyncadd.remote.s32 $0x1  }
0xbf: {  	_ =	sfence.sel $0xFFFF  }
0xc0: {  	[dreg:$0x0] =	wrdreg $0xFFFFFFFF;
	(pc) =	sbr.abs _section_cstart, $3  }
0xc1: {  	[dreg:$0x1] =	wrdreg $0xFFFFFFFF  }
0xc2: {  	_ =	task.clear_ibuf [dreg:s7], $0x2FFFF;
	_ =	strace $0x9FFFFFFF  }
0xc3: {  	(tm) =	ssettm $0x7FFFFFFF  }
tec
execute0_lowered:
.L_overlay_start_1:
0x0: {  	(tag) =	ssettag $0x1  }
0x1: {  	s1 =	rddreg [dreg:$0x0]  }
0x2: {  	s2 =	srdreg.scid;
	s6 =	rddreg [dreg:$0x1]  }
0x3: {  	s0 =	stileid.u32;
	s3 =	rddreg [dreg:$0x2]  }
0x4: {  	s4 =	simm.s32 $0x0;
	s13 =	simm.s32 $0x2;
	s5 =	smul.u32 $0x4E80, s0  }
0x5: {  	s14 =	simm.s32 $0x80;
	s15 =	simm.s32 $0x100;
	s9 =	smul.u32 $0x2780, s0  }
0x6: {  	s16 =	simm.s32 $0x1;
	s7 =	sand.u32 $0x1, s2;
	s10 =	smul.u32 $0x4F000, s0  }
0x7: {  	s17 =	simm.s32 $0x0;
	s2 =	rddreg [dreg:$0x3];
	s8 =	smul.u32 $0x2D00, s7  }
0x8: {  	[smem:$0x7FF] =	sst s4;
	s31 =	sshll.u32 s0, $0x6;
	s28 =	smul.u32 $0x27800, s7  }
0x9: {  	_ =	strace $0x80000047;
	s12 =	ssub.s32 $0x2, s7;
	p0 =	seq.s32 s7, $0x0  }
0xa: {  	s7 =	sor.u32 $0x1C02, s31;
	s29 =	sshrl.u32 s12, $0x1;
	s10 =	sshrl.u32 s10, $0x2  }
0xb: {  	s5 =	sadd.s32 s8, s5;
	s8 =	sadd.s32 s9, s28;
	s9 =	ssub.s32 s12, s29  }
0xc: {  	s30 =	sadd.s32 s10, s3;
	s5 =	sshrl.u32 s5, $0x3;
	s8 =	sadd.s32 s8, s6  }
0xd: {  	s9 =	smax.u32 s9, $0x1;
	s12 =	sshrl.u32 s30, $0x3;
	s11 =	sadd.s32 s5, s6  }
0xe: {  	s5 =	sadd.s32 $0x14A00, s6;
	s6 =	simm.s32 $0x5A;
	s8 =	sadd.s32 $0x17200, s8  }
0xf: {  	s6 =	simm.s32 @!p0 $0x43;
	s10 =	sadd.s32 $0xE00, s11;
	s11 =	sadd.s32 $0xAC00, s11  }
.LBB2_1:
0x10: {  	[spmem:s12], [sflag:s7] =	dma.local [hbm:s5], $0x2780  }
0x11: {  	_ =	swait.ge [sflag:s13], $0x2780  }
0x12: {  	[sflag:s13] =	ssyncset.done $0x0  }
0x13: {  	[sflag:s13] =	ssyncadd.s32 $0xFFFFD880  }
0x14: {  	[bflag:$0x0] =	sbarrier.arrive $0xFFFF  }
0x15: {  	[tilespmem:s4], [sflag:$0x2] =	stream.linear.gather [hbm4b:s11+s4], $0x80, $0x38;
	[tilespmem:$0x17D00] =	vst v63  }
0x16: {  	_ =	swait.ge [sflag:s13], $0x80  }
0x17: {  	[sflag:s13] =	ssyncset.done $0x0  }
0x18: {  	[sflag:s13] =	ssyncadd.s32 $0xFFFFFF80  }
0x19: {  	[tilespmem:s14], [sflag:$0x2] =	stream.linear.gather [hbm4b:s10+s4], $0x80, $0x38;
	[tilespmem:$0x17D00] =	vst v63  }
0x1a: {  	_ =	swait.ge [sflag:s13], $0x80  }
0x1b: {  	[sflag:s13] =	ssyncset.done $0x0  }
0x1c: {  	[sflag:s13] =	ssyncadd.s32 $0xFFFFFF80  }
0x1d: {  	[tilespmem:s15], [sflag:$0x1] =	stream.indirect.gather [hbm4b:s1+s14], $0x80, s4, s14, $0xb8;
	[tilespmem:$0x17D00] =	vst v63  }
0x1e: {  	p0 =	sne.s32 s6, $0x1;
	_ =	swait.ge [sflag:s16], $0x4000  }
.Ltmp0:
0x1f: {  	[sflag:s16] =	ssyncset.done $0x0;
	(pc) =	sbr.rel @!p0 .LBB2_3-.Ltmp0, $4  }
0x20: {  	[sflag:s16] =	ssyncadd.s32 $0xFFFFC000  }
0x21: {  	[spmem:s3] =	stream.indirect.scatter.add.f32 [tilespmem:s15], [sflag:$0x2], $0x80, s14, s14, $0xb8;
	[tilespmem:$0x17D00] =	vst v63  }
0x22: {  	s18 =	sadd.s32 $0xFFFFFFFF, s6;
	_ =	swait.ge [sflag:s13], $0x4000  }
0x23: {  	s19 =	smov.u32 s10;
	s20 =	smov.u32 s11;
	[sflag:s13] =	ssyncset.done $0x0  }
.LBB2_2:
0x24: {  	[sflag:s13] =	ssyncadd.s32 $0xFFFFC000;
	s19 =	sadd.s32 $0x10, s19;
	s20 =	sadd.s32 $0x10, s20  }
0x25: {  	[tilespmem:s4], [sflag:$0x2] =	stream.linear.gather [hbm4b:s20+s4], $0x80, $0x38;
	[tilespmem:$0x17D00] =	vst v63  }
0x26: {  	p0 =	sne.s32 s18, $0x1;
	s18 =	sadd.s32 $0xFFFFFFFF, s18;
	_ =	swait.ge [sflag:s13], $0x80  }
0x27: {  	[sflag:s13] =	ssyncset.done $0x0  }
0x28: {  	[sflag:s13] =	ssyncadd.s32 $0xFFFFFF80  }
0x29: {  	[tilespmem:s14], [sflag:$0x2] =	stream.linear.gather [hbm4b:s19+s4], $0x80, $0x38;
	[tilespmem:$0x17D00] =	vst v63  }
0x2a: {  	_ =	swait.ge [sflag:s13], $0x80  }
0x2b: {  	[sflag:s13] =	ssyncset.done $0x0  }
0x2c: {  	[sflag:s13] =	ssyncadd.s32 $0xFFFFFF80  }
0x2d: {  	[tilespmem:s15], [sflag:$0x1] =	stream.indirect.gather [hbm4b:s1+s14], $0x80, s4, s14, $0xb8;
	[tilespmem:$0x17D00] =	vst v63  }
0x2e: {  	_ =	swait.ge [sflag:s16], $0x4000  }
.Ltmp1:
0x2f: {  	[sflag:s16] =	ssyncset.done $0x0;
	(pc) =	sbr.rel @p0 .LBB2_2-.Ltmp1, $4  }
0x30: {  	[sflag:s16] =	ssyncadd.s32 $0xFFFFC000  }
0x31: {  	[spmem:s3] =	stream.indirect.scatter.add.f32 [tilespmem:s15], [sflag:$0x2], $0x80, s14, s14, $0xb8;
	[tilespmem:$0x17D00] =	vst v63  }
0x32: {  	_ =	swait.ge [sflag:s13], $0x4000  }
0x33: {  	[sflag:s13] =	ssyncset.done $0x0  }
.LBB2_3:
0x34: {  	s17 =	sadd.s32 $0x1, s17  }
0x35: {  	[sflag:s13] =	ssyncadd.s32 $0xFFFFC000;
	p0 =	sne.s32 s17, s9  }
.Ltmp2:
0x36: {  	[bflag:$0x0] =	sbarrier.arrive $0xFFFF;
	(pc) =	sbr.rel @p0 .LBB2_1-.Ltmp2, $4  }
0x37: {  	[hbm:s8], [sflag:s7] =	dma.local [spmem:s12], $0x2780  }
0x38: {  	_ =	swait.ge [sflag:s13], $0x2780  }
0x39: {  	[sflag:s13] =	ssyncset.done $0x0  }
0x3a: {  	[sflag:s13] =	ssyncadd.s32 $0xFFFFD880  }
0x3b: {  	_ =	sfence.sel $0x180000  }
0x3c: {  	[bflag:$0x0] =	sbarrier.arrive $0xFFFF  }
0x3d: {  	p0 =	sne.s32 s0, $0x0;
	_ =	strace $0x90000047  }
0x3e: {  	s0 =	sadd.s32 @!p0 $0x100000, s2;
	[bflag:$0x2] =	sbarrier.arrive $0xFFFF  }
0x3f: {  	[sflag:s0] =	ssyncadd.tile.s32 @!p0 $0x1;
	_ =	shalt  }
.Lfunc_end2:
_tile_overlayer_lowered:
.L_overlay_start_2:
0x40: {  	(tag) =	ssettag $0x2  }
0x41: {  	s0 =	rddreg [dreg:$0x0];
	s2 =	stileid.u32  }
0x42: {  	s1 =	rddreg [dreg:$0x1];
	p0 =	sne.s32 s2, $0x0  }
0x43: {  	s3 =	rddreg [dreg:$0x2];
	[bflag:$0x3] =	sbarrier.arrive $0xFFFF;
	s2 =	simm.s32 @!p0 $0x1C02  }
0x44: {  	[timem:s3], [sflag:s2] =	dma.local @!p0 [hbm:s0], s1  }
0x45: {  	s0 =	simm.s32 @!p0 $0x2  }
0x46: {  	_ =	swait.ge @!p0 [sflag:s0], s1  }
0x47: {  	s1 =	ssub.s32 @!p0 $0x0, s1;
	[sflag:s0] =	ssyncset.done @!p0 $0x0  }
0x48: {  	[sflag:s0] =	ssyncadd.s32 @!p0 s1  }
0x49: {  	[bflag:$0x3] =	sbarrier.arrive $0xFFFF  }
0x4a: {  	_ =	shalt  }

</sc_bundles>
